<compile_context>
chip_gen: v7x
topology: tpu7x:2x2x1
jax: 0.10.2.dev20260603
libtpu: 0.0.44.dev20260713+nightly
codegen_flags: <defaults>
</compile_context>

<pallas_src>
import jax
import jax.numpy as jnp
from jax import lax
from jax.experimental import pallas as pl
from jax.experimental.pallas import tpu as pltpu
from jax.experimental.pallas import tpu_sc as plsc

_B = 1024
_V = 100000
_L = 16
_NS = 16
_PER_TILE = _B // _NS
_CHUNKS = _PER_TILE // _L


def _loss_body(inT_hbm, tgt_hbm, out_hbm, tgt_v, val_v, all_v, red_v, shared, sem):
    sid = lax.axis_index("s")
    base = sid * _PER_TILE

    pltpu.sync_copy(tgt_hbm.at[pl.ds(base, _PER_TILE)], tgt_v)

    col0 = pl.multiple_of((sid // 2) * 128, 128)
    pltpu.async_copy(
        inT_hbm.at[tgt_v, pl.ds(col0, 128)], val_v, sem
    ).wait()

    acc = jnp.zeros((_L,), jnp.float32)
    cbase = (sid % 2) * _PER_TILE
    for j in range(_CHUNKS):
        row = lax.iota(jnp.int32, _L) + (j * _L)
        col = lax.iota(jnp.int32, _L) + (cbase + j * _L)
        acc = acc + plsc.load_gather(val_v, [row, col])
    red_v[...] = acc
    pltpu.sync_copy(red_v, shared.at[pl.ds(sid * _L, _L)])
    plsc.subcore_barrier()

    @pl.when(sid == 0)
    def _():
        pltpu.sync_copy(shared, all_v)
        tot = all_v[pl.ds(0, _L)]
        for i in range(1, _NS):
            tot = tot + all_v[pl.ds(i * _L, _L)]
        res = 1.0 - jnp.sum(tot) * (1.0 / _B)
        red_v[...] = jnp.full((_L,), res, jnp.float32)
        pltpu.sync_copy(red_v, out_hbm)


@jax.jit
def _loss(inT, tgt):
    mesh = plsc.VectorSubcoreMesh(
        core_axis_name="c", subcore_axis_name="s", num_cores=1
    )
    return pl.kernel(
        _loss_body,
        out_type=jax.ShapeDtypeStruct((_L,), jnp.float32),
        mesh=mesh,
        scratch_types=[
            pltpu.VMEM((_PER_TILE,), jnp.int32),
            pltpu.VMEM((_PER_TILE, 128), jnp.float32),
            pltpu.VMEM((_NS * _L,), jnp.float32),
            pltpu.VMEM((_L,), jnp.float32),
            pltpu.VMEM_SHARED((_NS * _L,), jnp.float32),
            pltpu.SemaphoreType.DMA,
        ],
        compiler_params=pltpu.CompilerParams(needs_layout_passes=False),
    )(inT, tgt)


def kernel(input_, target):
    out = _loss(input_.T, target.astype(jnp.int32))
    return out[0]

# --- scband reference (transcript-rebuilt; emitter-appended) ---
"""Pipeline reference for scband-accuracy-loss-34952443855235 (READ-ONLY COPY).

The authoritative reference and input builder live on the scoring server;
editing this copy changes nothing except your own understanding.
"""

import jax, jax.numpy as jnp
import numpy as np

B = 1024
V = 100000

def setup_inputs(seed: int = 0) -> dict:
    key = jax.random.key(seed)
    k1, k2 = jax.random.split(key)
    input_ = jax.random.normal(k1, (B, V), dtype=jnp.float32)
    target = jax.random.randint(k2, (B,), 0, V, dtype=jnp.int64 if jax.config.read('jax_enable_x64') else jnp.int32)
    return {"input_": input_, "target": target}

def reference(input_, target):
    # out = input_[range(len(target)), target]
    rows = jnp.arange(target.shape[0])
    out = input_[rows, target]
    return 1.0 - out.mean()

if __name__ == "__main__":
    import jax
    _d = setup_inputs()
    print(jax.jit(kernel)(*tuple(_d.values())))

</pallas_src>

<mosaic_0001>
#map = affine_map<(d0, d1) -> (0, 0)>
#map1 = affine_map<(d0, d1) -> (0)>
module attributes {stable_mosaic.version = 14 : i64} {
  func.func @_loss_body(%arg0: i32, %arg1: i32, %arg2: memref<100000x1024xf32, #tpu.memory_space<hbm>>, %arg3: memref<1024xi32, #tpu.memory_space<hbm>>, %arg4: memref<16xf32, #tpu.memory_space<hbm>>, %arg5: memref<64xi32, #tpu.memory_space<vmem>>, %arg6: memref<64x128xf32, #tpu.memory_space<vmem>>, %arg7: memref<256xf32, #tpu.memory_space<vmem>>, %arg8: memref<16xf32, #tpu.memory_space<vmem>>, %arg9: memref<256xf32, #tpu.memory_space<vmem_shared>>, %arg10: memref<!tpu.dma_semaphore, #tpu.memory_space<semaphore_mem>>) attributes {dimension_semantics = [#tpu.dimension_semantics<core_parallel>, #tpu.dimension_semantics<subcore_parallel>], iteration_bounds = array<i64: 1, 16>, scalar_prefetch = 0 : i64, scratch_operands = 6 : i64, tpu.core_type = #tpu.core_type<sc_vector_subcore>, window_params = [{transform_indices = #map}, {transform_indices = #map1}, {transform_indices = #map1}]} {
    %mul3A = arith.constant 64 : i32
    %mul3A_0 = arith.muli %arg1, %mul3A : i32
    "tpu.region"() ({
      %run_scoped3A = tpu.sem_alloc : memref<!tpu.dma_semaphore, #tpu.memory_space<semaphore_mem>>
      %dma_start3A_85 = tpu.memref_slice %arg3[%mul3A_0] : memref<1024xi32, #tpu.memory_space<hbm>> -> memref<64xi32, #tpu.memory_space<hbm>>
      %dma_start3A_86 = tpu.memref_slice %arg3[%mul3A_0] : memref<1024xi32, #tpu.memory_space<hbm>> -> memref<64xi32, #tpu.memory_space<hbm>>
      tpu.enqueue_dma source(%dma_start3A_86 : memref<64xi32, #tpu.memory_space<hbm>>) target(%arg5 : memref<64xi32, #tpu.memory_space<vmem>>) target_semaphore(%run_scoped3A : memref<!tpu.dma_semaphore, #tpu.memory_space<semaphore_mem>>)
      %dma_wait3A_87 = tpu.memref_slice %arg3[%mul3A_0] : memref<1024xi32, #tpu.memory_space<hbm>> -> memref<64xi32, #tpu.memory_space<hbm>>
      %dma_wait3A_88 = tpu.memref_slice %arg3[%mul3A_0] : memref<1024xi32, #tpu.memory_space<hbm>> -> memref<64xi32, #tpu.memory_space<hbm>>
      tpu.wait_dma2 semaphore(%run_scoped3A : memref<!tpu.dma_semaphore, #tpu.memory_space<semaphore_mem>>) src(%dma_wait3A_88 : memref<64xi32, #tpu.memory_space<hbm>>) dst(%arg5 : memref<64xi32, #tpu.memory_space<vmem>>)
      tpu.yield
    }) : () -> ()
    %jit3A = arith.constant 2 : i32
    %div3A = arith.divsi %arg1, %jit3A : i32
    %sign3A = arith.constant 0 : i32
    %sign3A_1 = arith.cmpi sgt, %arg1, %sign3A : i32
    %sign3A_2 = arith.extui %sign3A_1 : i1 to i32
    %sign3A_3 = arith.constant 0 : i32
    %sign3A_4 = arith.cmpi slt, %arg1, %sign3A_3 : i32
    %sign3A_5 = arith.extui %sign3A_4 : i1 to i32
    %sign3A_6 = arith.subi %sign3A_2, %sign3A_5 : i32
    %sign3A_7 = arith.constant 0 : i32
    %sign3A_8 = arith.cmpi sgt, %jit3A, %sign3A_7 : i32
    %sign3A_9 = arith.extui %sign3A_8 : i1 to i32
    %sign3A_10 = arith.constant 0 : i32
    %sign3A_11 = arith.cmpi slt, %jit3A, %sign3A_10 : i32
    %sign3A_12 = arith.extui %sign3A_11 : i1 to i32
    %sign3A_13 = arith.subi %sign3A_9, %sign3A_12 : i32
    %ne3A = arith.cmpi ne, %sign3A_6, %sign3A_13 : i32
    %rem3A = arith.remsi %arg1, %jit3A : i32
    %ne3A_14 = arith.constant 0 : i32
    %ne3A_15 = arith.cmpi ne, %rem3A, %ne3A_14 : i32
    %and3A = arith.andi %ne3A, %ne3A_15 : i1
    %sub3A = arith.constant 1 : i32
    %sub3A_16 = arith.subi %div3A, %sub3A : i32
    %select_n3A = arith.select %and3A, %sub3A_16, %div3A : i32
    %mul3A_17 = arith.constant 128 : i32
    %mul3A_18 = arith.muli %select_n3A, %mul3A_17 : i32
    %multiple_of3A = tpu.assume_multiple %mul3A_18, 128 : i32
    %dma_start3A = arith.constant 0 : i32
    %dma_start3A_19 = tpu.memref_slice %arg2[%dma_start3A, %multiple_of3A] : memref<100000x1024xf32, #tpu.memory_space<hbm>> -> memref<100000x128xf32, #tpu.memory_space<hbm>>
    tpu.enqueue_indirect_dma source(%dma_start3A_19 : memref<100000x128xf32, #tpu.memory_space<hbm>>) target(%arg6 : memref<64x128xf32, #tpu.memory_space<vmem>>) offsets(%arg5 : memref<64xi32, #tpu.memory_space<vmem>>) semaphore(%arg10 : memref<!tpu.dma_semaphore, #tpu.memory_space<semaphore_mem>>)
    %dma_wait3A = arith.constant 0 : i32
    %dma_wait3A_20 = tpu.memref_slice %arg2[%dma_wait3A, %multiple_of3A] : memref<100000x1024xf32, #tpu.memory_space<hbm>> -> memref<100000x128xf32, #tpu.memory_space<hbm>>
    tpu.wait_indirect_dma semaphore(%arg10 : memref<!tpu.dma_semaphore, #tpu.memory_space<semaphore_mem>>) src(%dma_wait3A_20 : memref<100000x128xf32, #tpu.memory_space<hbm>>) dst(%arg6 : memref<64x128xf32, #tpu.memory_space<vmem>>)
    %broadcast_in_dim3A = arith.constant 0.000000e+00 : f32
    %broadcast_in_dim3A_21 = vector.broadcast %broadcast_in_dim3A : f32 to vector<16xf32>
    %jit3A_22 = arith.constant 2 : i32
    %eq3A = arith.constant 0 : i32
    %eq3A_23 = arith.cmpi eq, %jit3A_22, %eq3A : i32
    %jit3A_24 = arith.constant 1 : i32
    %select_n3A_25 = arith.select %eq3A_23, %jit3A_24, %jit3A_22 : i32
    %rem3A_26 = arith.remsi %arg1, %select_n3A_25 : i32
    %ne3A_27 = arith.constant 0 : i32
    %ne3A_28 = arith.cmpi ne, %rem3A_26, %ne3A_27 : i32
    %lt3A = arith.constant 0 : i32
    %lt3A_29 = arith.cmpi slt, %rem3A_26, %lt3A : i32
    %lt3A_30 = arith.constant 0 : i32
    %lt3A_31 = arith.cmpi slt, %select_n3A_25, %lt3A_30 : i32
    %ne3A_32 = arith.xori %lt3A_29, %lt3A_31 : i1
    %and3A_33 = arith.andi %ne3A_32, %ne3A_28 : i1
    %add3A = arith.addi %rem3A_26, %select_n3A_25 : i32
    %select_n3A_34 = arith.select %and3A_33, %add3A, %rem3A_26 : i32
    %mul3A_35 = arith.constant 64 : i32
    %mul3A_36 = arith.muli %select_n3A_34, %mul3A_35 : i32
    %iota3A = tpu.iota {dimensions = array<i32: 0>} : vector<16xi32>
    %add3A_37 = arith.constant 0 : i32
    %add3A_38 = vector.broadcast %add3A_37 : i32 to vector<16xi32>
    %add3A_39 = arith.addi %iota3A, %add3A_38 : vector<16xi32>
    %iota3A_40 = tpu.iota {dimensions = array<i32: 0>} : vector<16xi32>
    %add3A_41 = arith.constant 0 : i32
    %add3A_42 = arith.addi %mul3A_36, %add3A_41 : i32
    %add3A_43 = vector.broadcast %add3A_42 : i32 to vector<16xi32>
    %add3A_44 = arith.addi %iota3A_40, %add3A_43 : vector<16xi32>
    %gather3A = tpu.vector_load_idx %arg6[%add3A_39, %add3A_44] : memref<64x128xf32, #tpu.memory_space<vmem>>[vector<16xi32>, vector<16xi32>], vector<16xf32>,
    %add3A_45 = arith.addf %broadcast_in_dim3A_21, %gather3A : vector<16xf32>
    %iota3A_46 = tpu.iota {dimensions = array<i32: 0>} : vector<16xi32>
    %add3A_47 = arith.constant 16 : i32
    %add3A_48 = vector.broadcast %add3A_47 : i32 to vector<16xi32>
    %add3A_49 = arith.addi %iota3A_46, %add3A_48 : vector<16xi32>
    %iota3A_50 = tpu.iota {dimensions = array<i32: 0>} : vector<16xi32>
    %add3A_51 = arith.constant 16 : i32
    %add3A_52 = arith.addi %mul3A_36, %add3A_51 : i32
    %add3A_53 = vector.broadcast %add3A_52 : i32 to vector<16xi32>
    %add3A_54 = arith.addi %iota3A_50, %add3A_53 : vector<16xi32>
    %gather3A_55 = tpu.vector_load_idx %arg6[%add3A_49, %add3A_54] : memref<64x128xf32, #tpu.memory_space<vmem>>[vector<16xi32>, vector<16xi32>], vector<16xf32>,
    %add3A_56 = arith.addf %add3A_45, %gather3A_55 : vector<16xf32>
    %iota3A_57 = tpu.iota {dimensions = array<i32: 0>} : vector<16xi32>
    %add3A_58 = arith.constant 32 : i32
    %add3A_59 = vector.broadcast %add3A_58 : i32 to vector<16xi32>
    %add3A_60 = arith.addi %iota3A_57, %add3A_59 : vector<16xi32>
    %iota3A_61 = tpu.iota {dimensions = array<i32: 0>} : vector<16xi32>
    %add3A_62 = arith.constant 32 : i32
    %add3A_63 = arith.addi %mul3A_36, %add3A_62 : i32
    %add3A_64 = vector.broadcast %add3A_63 : i32 to vector<16xi32>
    %add3A_65 = arith.addi %iota3A_61, %add3A_64 : vector<16xi32>
    %gather3A_66 = tpu.vector_load_idx %arg6[%add3A_60, %add3A_65] : memref<64x128xf32, #tpu.memory_space<vmem>>[vector<16xi32>, vector<16xi32>], vector<16xf32>,
    %add3A_67 = arith.addf %add3A_56, %gather3A_66 : vector<16xf32>
    %iota3A_68 = tpu.iota {dimensions = array<i32: 0>} : vector<16xi32>
    %add3A_69 = arith.constant 48 : i32
    %add3A_70 = vector.broadcast %add3A_69 : i32 to vector<16xi32>
    %add3A_71 = arith.addi %iota3A_68, %add3A_70 : vector<16xi32>
    %iota3A_72 = tpu.iota {dimensions = array<i32: 0>} : vector<16xi32>
    %add3A_73 = arith.constant 48 : i32
    %add3A_74 = arith.addi %mul3A_36, %add3A_73 : i32
    %add3A_75 = vector.broadcast %add3A_74 : i32 to vector<16xi32>
    %add3A_76 = arith.addi %iota3A_72, %add3A_75 : vector<16xi32>
    %gather3A_77 = tpu.vector_load_idx %arg6[%add3A_71, %add3A_76] : memref<64x128xf32, #tpu.memory_space<vmem>>[vector<16xi32>, vector<16xi32>], vector<16xf32>,
    %add3A_78 = arith.addf %add3A_67, %gather3A_77 : vector<16xf32>
    %swap3A = arith.constant 0 : index
    %swap3A_79 = tpu.vector_load %arg8[%swap3A] {strides = array<i32>} : memref<16xf32, #tpu.memory_space<vmem>>, vector<16xf32>,
    tpu.vector_store %arg8[%swap3A], %add3A_78 {strides = array<i32>} : memref<16xf32, #tpu.memory_space<vmem>>, vector<16xf32>,
    %mul3A_80 = arith.constant 16 : i32
    %mul3A_81 = arith.muli %arg1, %mul3A_80 : i32
    "tpu.region"() ({
      %run_scoped3A = tpu.sem_alloc : memref<!tpu.dma_semaphore, #tpu.memory_space<semaphore_mem>>
      %dma_start3A_85 = tpu.memref_slice %arg9[%mul3A_81] : memref<256xf32, #tpu.memory_space<vmem_shared>> -> memref<16xf32, #tpu.memory_space<vmem_shared>>
      %dma_start3A_86 = tpu.memref_slice %arg9[%mul3A_81] : memref<256xf32, #tpu.memory_space<vmem_shared>> -> memref<16xf32, #tpu.memory_space<vmem_shared>>
      tpu.enqueue_dma source(%arg8 : memref<16xf32, #tpu.memory_space<vmem>>) target(%dma_start3A_86 : memref<16xf32, #tpu.memory_space<vmem_shared>>) target_semaphore(%run_scoped3A : memref<!tpu.dma_semaphore, #tpu.memory_space<semaphore_mem>>)
      %dma_wait3A_87 = tpu.memref_slice %arg9[%mul3A_81] : memref<256xf32, #tpu.memory_space<vmem_shared>> -> memref<16xf32, #tpu.memory_space<vmem_shared>>
      %dma_wait3A_88 = tpu.memref_slice %arg9[%mul3A_81] : memref<256xf32, #tpu.memory_space<vmem_shared>> -> memref<16xf32, #tpu.memory_space<vmem_shared>>
      tpu.wait_dma2 semaphore(%run_scoped3A : memref<!tpu.dma_semaphore, #tpu.memory_space<semaphore_mem>>) src(%arg8 : memref<16xf32, #tpu.memory_space<vmem>>) dst(%dma_wait3A_88 : memref<16xf32, #tpu.memory_space<vmem_shared>>)
      tpu.yield
    }) : () -> ()
    %barrier3A = arith.constant 0 : index
    tpu.barrier barrier_id(%barrier3A)
    %eq3A_82 = arith.constant 0 : i32
    %eq3A_83 = arith.cmpi eq, %arg1, %eq3A_82 : i32
    %convert_element_type3A = arith.extui %eq3A_83 : i1 to i32
    %cond3A = arith.constant 0 : i32
    %cond3A_84 = arith.cmpi ne, %convert_element_type3A, %cond3A : i32
    scf.if %cond3A_84 {
      "tpu.region"() ({
        %run_scoped3A = tpu.sem_alloc : memref<!tpu.dma_semaphore, #tpu.memory_space<semaphore_mem>>
        tpu.enqueue_dma source(%arg9 : memref<256xf32, #tpu.memory_space<vmem_shared>>) target(%arg7 : memref<256xf32, #tpu.memory_space<vmem>>) target_semaphore(%run_scoped3A : memref<!tpu.dma_semaphore, #tpu.memory_space<semaphore_mem>>)
        tpu.wait_dma2 semaphore(%run_scoped3A : memref<!tpu.dma_semaphore, #tpu.memory_space<semaphore_mem>>) src(%arg9 : memref<256xf32, #tpu.memory_space<vmem_shared>>) dst(%arg7 : memref<256xf32, #tpu.memory_space<vmem>>)
        tpu.yield
      }) : () -> ()
      %get3A = arith.constant 0 : index
      %get3A_85 = tpu.vector_load %arg7[%get3A] {strides = array<i32>} : memref<256xf32, #tpu.memory_space<vmem>>, vector<16xf32>,
      %get3A_86 = arith.constant 16 : index
      %get3A_87 = tpu.vector_load %arg7[%get3A_86] {strides = array<i32>} : memref<256xf32, #tpu.memory_space<vmem>>, vector<16xf32>,
      %add3A_88 = arith.addf %get3A_85, %get3A_87 : vector<16xf32>
      %get3A_89 = arith.constant 32 : index
      %get3A_90 = tpu.vector_load %arg7[%get3A_89] {strides = array<i32>} : memref<256xf32, #tpu.memory_space<vmem>>, vector<16xf32>,
      %add3A_91 = arith.addf %add3A_88, %get3A_90 : vector<16xf32>
      %get3A_92 = arith.constant 48 : index
      %get3A_93 = tpu.vector_load %arg7[%get3A_92] {strides = array<i32>} : memref<256xf32, #tpu.memory_space<vmem>>, vector<16xf32>,
      %add3A_94 = arith.addf %add3A_91, %get3A_93 : vector<16xf32>
      %get3A_95 = arith.constant 64 : index
      %get3A_96 = tpu.vector_load %arg7[%get3A_95] {strides = array<i32>} : memref<256xf32, #tpu.memory_space<vmem>>, vector<16xf32>,
      %add3A_97 = arith.addf %add3A_94, %get3A_96 : vector<16xf32>
      %get3A_98 = arith.constant 80 : index
      %get3A_99 = tpu.vector_load %arg7[%get3A_98] {strides = array<i32>} : memref<256xf32, #tpu.memory_space<vmem>>, vector<16xf32>,
      %add3A_100 = arith.addf %add3A_97, %get3A_99 : vector<16xf32>
      %get3A_101 = arith.constant 96 : index
      %get3A_102 = tpu.vector_load %arg7[%get3A_101] {strides = array<i32>} : memref<256xf32, #tpu.memory_space<vmem>>, vector<16xf32>,
      %add3A_103 = arith.addf %add3A_100, %get3A_102 : vector<16xf32>
      %get3A_104 = arith.constant 112 : index
      %get3A_105 = tpu.vector_load %arg7[%get3A_104] {strides = array<i32>} : memref<256xf32, #tpu.memory_space<vmem>>, vector<16xf32>,
      %add3A_106 = arith.addf %add3A_103, %get3A_105 : vector<16xf32>
      %get3A_107 = arith.constant 128 : index
      %get3A_108 = tpu.vector_load %arg7[%get3A_107] {strides = array<i32>} : memref<256xf32, #tpu.memory_space<vmem>>, vector<16xf32>,
      %add3A_109 = arith.addf %add3A_106, %get3A_108 : vector<16xf32>
      %get3A_110 = arith.constant 144 : index
      %get3A_111 = tpu.vector_load %arg7[%get3A_110] {strides = array<i32>} : memref<256xf32, #tpu.memory_space<vmem>>, vector<16xf32>,
      %add3A_112 = arith.addf %add3A_109, %get3A_111 : vector<16xf32>
      %get3A_113 = arith.constant 160 : index
      %get3A_114 = tpu.vector_load %arg7[%get3A_113] {strides = array<i32>} : memref<256xf32, #tpu.memory_space<vmem>>, vector<16xf32>,
      %add3A_115 = arith.addf %add3A_112, %get3A_114 : vector<16xf32>
      %get3A_116 = arith.constant 176 : index
      %get3A_117 = tpu.vector_load %arg7[%get3A_116] {strides = array<i32>} : memref<256xf32, #tpu.memory_space<vmem>>, vector<16xf32>,
      %add3A_118 = arith.addf %add3A_115, %get3A_117 : vector<16xf32>
      %get3A_119 = arith.constant 192 : index
      %get3A_120 = tpu.vector_load %arg7[%get3A_119] {strides = array<i32>} : memref<256xf32, #tpu.memory_space<vmem>>, vector<16xf32>,
      %add3A_121 = arith.addf %add3A_118, %get3A_120 : vector<16xf32>
      %get3A_122 = arith.constant 208 : index
      %get3A_123 = tpu.vector_load %arg7[%get3A_122] {strides = array<i32>} : memref<256xf32, #tpu.memory_space<vmem>>, vector<16xf32>,
      %add3A_124 = arith.addf %add3A_121, %get3A_123 : vector<16xf32>
      %get3A_125 = arith.constant 224 : index
      %get3A_126 = tpu.vector_load %arg7[%get3A_125] {strides = array<i32>} : memref<256xf32, #tpu.memory_space<vmem>>, vector<16xf32>,
      %add3A_127 = arith.addf %add3A_124, %get3A_126 : vector<16xf32>
      %get3A_128 = arith.constant 240 : index
      %get3A_129 = tpu.vector_load %arg7[%get3A_128] {strides = array<i32>} : memref<256xf32, #tpu.memory_space<vmem>>, vector<16xf32>,
      %add3A_130 = arith.addf %add3A_127, %get3A_129 : vector<16xf32>
      %reduce_sum3A = arith.constant true
      %reduce_sum3A_131 = vector.broadcast %reduce_sum3A : i1 to vector<16xi1>
      %reduce_sum3A_132 = tpu.scan <sum>, %add3A_130 masked %reduce_sum3A_131 : vector<16xf32>, vector<16xi1> -> vector<16xf32>
      %reduce_sum3A_133 = vector.extract %reduce_sum3A_132[15] : f32 from vector<16xf32>
      %mul3A_134 = arith.constant 9.765625E-4 : f32
      %mul3A_135 = arith.mulf %reduce_sum3A_133, %mul3A_134 : f32
      %sub3A_136 = arith.constant 1.000000e+00 : f32
      %sub3A_137 = arith.subf %sub3A_136, %mul3A_135 : f32
      %broadcast_in_dim3A_138 = vector.broadcast %sub3A_137 : f32 to vector<16xf32>
      %swap3A_139 = arith.constant 0 : index
      %swap3A_140 = tpu.vector_load %arg8[%swap3A_139] {strides = array<i32>} : memref<16xf32, #tpu.memory_space<vmem>>, vector<16xf32>,
      tpu.vector_store %arg8[%swap3A_139], %broadcast_in_dim3A_138 {strides = array<i32>} : memref<16xf32, #tpu.memory_space<vmem>>, vector<16xf32>,
      "tpu.region"() ({
        %run_scoped3A = tpu.sem_alloc : memref<!tpu.dma_semaphore, #tpu.memory_space<semaphore_mem>>
        tpu.enqueue_dma source(%arg8 : memref<16xf32, #tpu.memory_space<vmem>>) target(%arg4 : memref<16xf32, #tpu.memory_space<hbm>>) target_semaphore(%run_scoped3A : memref<!tpu.dma_semaphore, #tpu.memory_space<semaphore_mem>>)
        tpu.wait_dma2 semaphore(%run_scoped3A : memref<!tpu.dma_semaphore, #tpu.memory_space<semaphore_mem>>) src(%arg8 : memref<16xf32, #tpu.memory_space<vmem>>) dst(%arg4 : memref<16xf32, #tpu.memory_space<hbm>>)
        tpu.yield
      }) : () -> ()
    } else {
    }
    return
  }
}

</mosaic_0001>

<sc_bundles>
// kernel: _loss.3.cloned.1.call-start
scs
__scs_entry_jumppad:
0x0: {  	(pc) =	sbr.rel $0x88, $3  }
0x1: {  	(tag) =	ssettag $0x0;
	lr =	simm.s32 $0x1  }
0x2: {  	[smem:$0x3F9F] =	sst lr;
	_ =	strace $0xD0000000  }
0x3: {  	_ = 	snop  }
0x4: {  	_ = 	snop  }
0x5: {  	_ = 	snop  }
0x6: {  	_ = 	snop  }
0x7: {  	_ = 	snop  }
__scs_overlays_trampoline_lowered:
0x8: {  	[smem:$0x3FAE] =	sst s0  }
0x9: {  	[smem:$0x3FAF] =	sst s1  }
0xa: {  	[smem:$0x3FB0] =	sst s2  }
0xb: {  	[smem:$0x3FB1] =	sst s3  }
0xc: {  	[smem:$0x3FB2] =	sst s4  }
0xd: {  	[smem:$0x3FB3] =	sst s5  }
0xe: {  	[smem:$0x3FB4] =	sst s6  }
0xf: {  	[smem:$0x3FB5] =	sst s7  }
0x10: {  	[smem:$0x3FB6] =	sst s8  }
0x11: {  	[smem:$0x3FB7] =	sst s9;
	s0 =	simm.s32 @!p0 $0x0  }
0x12: {  	s1 =	sld [smem:$0x3F9D];
	s0 =	simm.s32 @p0 $0x1  }
0x13: {  	[smem:$0x3FB8] =	sst s0;
	s0 =	simm.s32 @!p1 $0x0  }
0x14: {  	s2 =	sld [smem:$0x3F9C];
	s0 =	simm.s32 @p1 $0x1  }
0x15: {  	[smem:$0x3FB9] =	sst s0;
	s0 =	simm.s32 @!p2 $0x0  }
0x16: {  	s3 =	sld [smem:$0x3FDB];
	s0 =	simm.s32 @p2 $0x1  }
0x17: {  	s4 =	simm.s32 $0x1BF5;
	[smem:$0x3FBB] =	sst s0  }
0x18: {  	s0 =	sld [smem:$0x3F9E];
	_ =	swait.ge [sflag:s4], $0x0  }
0x19: {  	s7 =	sld [smem:$0x3F9F]  }
0x1a: {  	s8 =	sadd.s32 $0xFFFFE003, lr  }
0x1b: {  	s9 =	sadd.s32 $0xFFFFFEF7, lr;
	s5 =	simm.s32 $0xFFFFFFFF;
	p2 =	slt.u32 s8, $0xFFFFF086  }
0x1c: {  	p1 =	slt.u32 s9, $0xF7A;
	s5 =	simm.s32 @!p2 $0x0  }
0x1d: {  	s5 =	simm.s32 @p1 $0x1;
	p0 =	seq.s32 s7, s2  }
0x1e: {  	s7 =	smul.u32 @!p0 $0xF7A, s2;
	p2 =	seq.s32 @!p0 s5, $0x0  }
0x1f: {  	s9 =	smul.u32 $0xF7A, s1;
	s8 =	simm.s32 @!p0 $0x1BF5;
	p2 =	por !p2, p0  }
0x20: {  	[sflag:s8] =	ssyncset.s32 @!p0 $0xFFFFF086;
	s6 =	sadd.s32 @!p0 s3, s7;
	s7 =	simm.s32 @!p0 $0x108  }
0x21: {  	s3 =	sadd.s32 s3, s9;
	s6 =	sadd.s32 @!p0 $0x88, s6;
	s7 =	simm.s32 @p2 $0x1082  }
0x22: {  	[simem:s7], [sflag:s8] =	dma.local @!p0 [hbm:s6], $0xF7A  }
0x23: {  	s9 =	sor.u32 $0xD0000000, s2;
	s6 =	simm.s32 $0x108;
	_ =	swait.ge @!p0 [sflag:s8], $0x0  }
0x24: {  	s3 =	sadd.s32 $0x88, s3;
	s6 =	simm.s32 @!p1 $0x1082;
	[sflag:s4] =	ssyncset.s32 $0xFFFFF086  }
0x25: {  	[simem:s6], [sflag:s4] =	dma.local [hbm:s3], $0xF7A  }
0x26: {  	[smem:$0x3F9F] =	sst s1;
	(tag) =	ssettag s2;
	_ =	strace s9  }
0x27: {  	s1 =	sld [smem:$0x3FAF]  }
0x28: {  	s2 =	sld [smem:$0x3FB0]  }
0x29: {  	s4 =	sld [smem:$0x3FB2]  }
0x2a: {  	p0 =	seq.s32 s5, $0x0;
	s5 =	sld [smem:$0x3FB3]  }
0x2b: {  	s6 =	sld [smem:$0x3FB4]  }
0x2c: {  	s7 =	sld [smem:$0x3FB5]  }
0x2d: {  	s3 =	simm.s32 $0x108;
	s8 =	sld [smem:$0x3FB6]  }
0x2e: {  	s3 =	simm.s32 @!p0 $0x1082;
	s9 =	sld [smem:$0x3FB7]  }
0x2f: {  	lr =	sadd.s32 s0, s3;
	s0 =	sld [smem:$0x3FAE]  }
0x30: {  	s3 =	sld [smem:$0x3FB1]  }
0x31: {  	[smem:$0x3FBA] =	sst s10  }
0x32: {  	s10 =	sld [smem:$0x3FB8];
	_ =	sdelay $0x3  }
0x33: {  	p0 =	seq.s32 s10, $0x1;
	s10 =	sld [smem:$0x3FBA];
	_ =	sdelay $0x3  }
0x34: {  	[smem:$0x3FBA] =	sst s10  }
0x35: {  	s10 =	sld [smem:$0x3FB9];
	_ =	sdelay $0x3  }
0x36: {  	p1 =	seq.s32 s10, $0x1;
	s10 =	sld [smem:$0x3FBA];
	_ =	sdelay $0x3  }
0x37: {  	[smem:$0x3FBA] =	sst s10  }
0x38: {  	s10 =	sld [smem:$0x3FBB]  }
0x39: {  	_ = 	snop;
	(pc) =	sbr.ind lr, $3  }
0x3a: {  	_ = 	snop  }
0x3b: {  	_ = 	snop  }
0x3c: {  	p2 =	seq.s32 s10, $0x1;
	s10 =	sld [smem:$0x3FBA]  }
0x3d: {  	_ =	shalt  }
0x3e: {  	_ =	shalt  }
0x3f: {  	_ =	shalt  }
0x40: {  	_ =	shalt  }
0x41: {  	_ =	shalt  }
0x42: {  	_ =	shalt  }
0x43: {  	_ =	shalt  }
0x44: {  	_ =	shalt  }
0x45: {  	_ =	shalt  }
0x46: {  	_ =	shalt  }
0x47: {  	_ =	shalt  }
0x48: {  	_ =	shalt  }
0x49: {  	_ =	shalt  }
0x4a: {  	_ =	shalt  }
0x4b: {  	_ =	shalt  }
0x4c: {  	_ =	shalt  }
0x4d: {  	_ =	shalt  }
0x4e: {  	_ =	shalt  }
0x4f: {  	_ =	shalt  }
0x50: {  	_ =	shalt  }
0x51: {  	_ =	shalt  }
0x52: {  	_ =	shalt  }
0x53: {  	_ =	shalt  }
0x54: {  	_ =	shalt  }
0x55: {  	_ =	shalt  }
0x56: {  	_ =	shalt  }
0x57: {  	_ =	shalt  }
0x58: {  	_ =	shalt  }
0x59: {  	_ =	shalt  }
0x5a: {  	_ =	shalt  }
0x5b: {  	_ =	shalt  }
0x5c: {  	_ =	shalt  }
0x5d: {  	_ =	shalt  }
0x5e: {  	_ =	shalt  }
0x5f: {  	_ =	shalt  }
0x60: {  	_ =	shalt  }
0x61: {  	_ =	shalt  }
0x62: {  	_ =	shalt  }
0x63: {  	_ =	shalt  }
0x64: {  	_ =	shalt  }
0x65: {  	_ =	shalt  }
0x66: {  	_ =	shalt  }
0x67: {  	_ =	shalt  }
0x68: {  	_ =	shalt  }
0x69: {  	_ =	shalt  }
0x6a: {  	_ =	shalt  }
0x6b: {  	_ =	shalt  }
0x6c: {  	_ =	shalt  }
0x6d: {  	_ =	shalt  }
0x6e: {  	_ =	shalt  }
0x6f: {  	_ =	shalt  }
0x70: {  	_ =	shalt  }
0x71: {  	_ =	shalt  }
0x72: {  	_ =	shalt  }
0x73: {  	_ =	shalt  }
0x74: {  	_ =	shalt  }
0x75: {  	_ =	shalt  }
0x76: {  	_ =	shalt  }
0x77: {  	_ =	shalt  }
0x78: {  	_ =	shalt  }
0x79: {  	_ =	shalt  }
0x7a: {  	_ =	shalt  }
0x7b: {  	_ =	shalt  }
0x7c: {  	_ =	shalt  }
0x7d: {  	_ =	shalt  }
0x7e: {  	_ =	shalt  }
0x7f: {  	_ =	shalt  }
0x80: {  	_ =	shalt  }
0x81: {  	_ =	shalt  }
0x82: {  	_ =	shalt  }
0x83: {  	_ =	shalt  }
0x84: {  	_ =	shalt  }
0x85: {  	_ =	shalt  }
0x86: {  	_ =	shalt  }
0x87: {  	_ =	shalt  }
.Lfunc_end0:
.L_simem_size_0:
called_computation_lowered:
.L_overlay_start_0:
0x88: {  	s0 =	sld [smem:$0x3FD9]  }
0x89: {  	s1 =	sld [smem:$0x3FFE];
	_ =	sdelay $0x3  }
0x8a: {  	s0 =	sadd.s32 s1, s0  }
0x8b: {  	[smem:$0x3FC6] =	sst s0  }
0x8c: {  	_ = 	snop  }
0x8d: {  	s0 =	sld [smem:$0x3FC9]  }
0x8e: {  	s17 =	sld [smem:$0x3FC8]  }
0x8f: {  	s2 =	sld [smem:$0x3FD0];
	(tm) =	ssettm $0x1  }
0x90: {  	s3 =	sld [smem:$0x3FFB];
	_ =	sdelay $0x3  }
0x91: {  	_ =	strace s3  }
0x92: {  	s3 =	sld [smem:$0x3FFC];
	_ =	sdelay $0x3  }
0x93: {  	_ =	strace s3  }
0x94: {  	s3 =	sld [smem:$0x3FFD];
	_ =	sdelay $0x3  }
0x95: {  	_ =	strace s3  }
0x96: {  	_ =	strace $0x8FFFFFFF  }
0x97: {  	s18 =	sld [smem:$0x3FDB];
	_ =	sdelay $0x1  }
0x98: {  	s4 =	simm.s32 $_scs_section_size  }
0x99: {  	s5 =	simm.s32 $_size__tile_overlayer_lowered;
	s6 =	simm.s32 $_tile_overlayer_lowered  }
0x9a: {  	s21 =	simm.s32 $0x1BFF;
	s20 =	sshll.u32 s6, $0x1;
	s3 =	sadd.s32 s4, s18  }
0x9b: {  	s7 =	simm.s32 $0x0;
	s19 =	sshll.u32 s5, $0x1;
	s5 =	sadd.s32 s20, s3  }
0x9c: {  	[timem:s7], [sflag:s21] =	dma.local [hbm:s5], s19  }
0x9d: {  	_ =	swait.ge [sflag:s21], s19  }
0x9e: {  	s4 =	ssub.s32 $0x0, s19;
	[sflag:s21] =	ssyncset.done $0x0  }
0x9f: {  	[sflag:s21] =	ssyncadd.s32 s4;
	_ =	sdelay $0x1  }
0xa0: {  	s22 =	simm.s32 $0x1B8B  }
0xa1: {  	_ =	swait.ge [sflag:s22], $0x1  }
0xa2: {  	[sflag:s22] =	ssyncset.done $0x0  }
0xa3: {  	s23 =	simm.s32 $0x1B8E;
	[sflag:s22] =	ssyncadd.s32 $0xFFFFFFFF  }
0xa4: {  	s24 =	simm.s32 $execute0_lowered;
	[smem:$0x3FD2] =	sst s23  }
0xa5: {  	s4 =	sshll.u32 s24, $0x1;
	_ =	strace $0x80000046;
	[dreg:$0x1] =	wrdreg $0xFFFFFFFF  }
0xa6: {  	s25 =	simm.s32 $_size_execute0_lowered;
	s3 =	sadd.s32 s3, s4;
	[dreg:$0x0] =	wrdreg $0x0  }
0xa7: {  	s4 =	sshll.u32 s25, $0x1;
	[dreg:$0x2] =	wrdreg s3  }
0xa8: {  	[dreg:$0x3] =	wrdreg s4  }
0xa9: {  	[dreg:$0x4] =	wrdreg $0xC0  }
0xaa: {  	_ =	task [dreg:s7], $0x5FFFF  }
0xab: {  	[dreg:$0x1] =	wrdreg $0xFFFFFFFF  }
0xac: {  	[dreg:$0x0] =	wrdreg $0x60  }
0xad: {  	[dreg:$0x2] =	wrdreg s0  }
0xae: {  	[dreg:$0x3] =	wrdreg s17  }
0xaf: {  	[dreg:$0x4] =	wrdreg s2  }
0xb0: {  	[dreg:$0x5] =	wrdreg $0x22000  }
0xb1: {  	[dreg:$0x6] =	wrdreg $0x9  }
0xb2: {  	_ =	task.clear_ibuf [dreg:s7], $0x7FFFF;
	_ =	strace $0x90000046  }
0xb3: {  	s26 =	simm.s32 $0x9;
	_ =	strace $0x80000048  }
0xb4: {  	_ =	swait.ge [sflag:s26], $0x1  }
0xb5: {  	[sflag:s26] =	ssyncadd.s32 $0xFFFFFFFF  }
0xb6: {  	_ =	strace $0x90000048  }
0xb7: {  	_ =	sfence  }
0xb8: {  	s28 =	sld [smem:$0x0];
	_ =	sdelay $0x1  }
0xb9: {  	s29 =	srdreg.scid  }
0xba: {  	s30 =	sshll.u32 s29, $0xD;
	s31 =	sshrl.u32 s29, $0x2  }
0xbb: {  	s1 =	sand.u32 $0x1, s29;
	s2 =	sand.u32 $0x4000, s30;
	s0 =	sadd.s32 s31, s28  }
0xbc: {  	s1 =	sor.u32 s2, s1;
	s0 =	sshll.u32 s0, $0x11  }
0xbd: {  	s0 =	sor.u32 s0, s1  }
0xbe: {  	s0 =	sadd.s32 $0x8F2B, s0  }
0xbf: {  	[sflag:s0] =	ssyncadd.remote.s32 $0x1  }
0xc0: {  	_ =	sfence.sel $0xFFFF  }
0xc1: {  	[dreg:$0x0] =	wrdreg $0xFFFFFFFF;
	(pc) =	sbr.abs _section_cstart, $3  }
0xc2: {  	[dreg:$0x1] =	wrdreg $0xFFFFFFFF  }
0xc3: {  	_ =	task.clear_ibuf [dreg:s7], $0x2FFFF;
	_ =	strace $0x9FFFFFFF  }
0xc4: {  	(tm) =	ssettm $0x7FFFFFFF  }
0xc5: {  	_ =	shalt  }
tec
execute0_lowered:
.L_overlay_start_1:
0x0: {  	(tag) =	ssettag $0x1  }
0x1: {  	s7 =	rddreg [dreg:$0x0]  }
0x2: {  	s4 =	rddreg [dreg:$0x1]  }
0x3: {  	s1 =	rddreg [dreg:$0x2]  }
0x4: {  	s2 =	rddreg [dreg:$0x3];
	s5 =	simm.s32 $0x0;
	s3 =	stileid.u32  }
0x5: {  	[smem:$0x7FF] =	sst s5;
	s6 =	sshll.u32 s3, $0x3  }
0x6: {  	s0 =	rddreg [dreg:$0x4];
	_ =	strace $0x80000047;
	s4 =	sadd.s32 s4, s6  }
0x7: {  	[tilespmem:s5], [sflag:$0x2] =	stream.linear.gather [hbm4b:s4+s5], $0x40, $0x38;
	[tilespmem:$0x2210] =	vst v63  }
0x8: {  	s4 =	simm.s32 $0x2  }
0x9: {  	_ =	swait.ge [sflag:s4], $0x40  }
0xa: {  	[sflag:s4] =	ssyncset.done $0x0  }
0xb: {  	[sflag:s4] =	ssyncadd.s32 $0xFFFFFFC0  }
0xc: {  	v0 =	vld [tilespmem:$0x0];
	_ =	sdelay $0x4  }
0xd: {  	v1 =	vshll.u32 v0, $0x3  }
0xe: {  	v2 =	vand.u32 $0x7, v0;
	v1 =	vand.u32 $0xFFFFFFC0, v1  }
0xf: {  	v0 =	vlaneseq.u32;
	v18 =	vor.u32 v2, v1;
	v2 =	vimm.s32 $0x0  }
0x10: {  	v1 =	vmul.u32 $0x8, v0;
	v4 =	vperm.xlane v18, v2  }
0x11: {  	v3 =	vimm.s32 $0x1  }
0x12: {  	v5 =	vperm.xlane v18, v3;
	v6 =	vadd.s32 v1, v4  }
0x13: {  	v4 =	vimm.s32 $0x2  }
0x14: {  	s6 =	sshll.u32 s3, $0x6;
	v7 =	vadd.s32 v1, v5;
	v8 =	vperm.xlane v18, v4  }
0x15: {  	s8 =	sand.u32 $0x380, s6;
	v5 =	vimm.s32 $0x3  }
0x16: {  	vm0 =	vmmov $0x1;
	s8 =	sadd.s32 s7, s8;
	s7 =	simm.s32 $0x80;
	v9 =	vperm.xlane v18, v5;
	v8 =	vadd.s32 v1, v8  }
0x17: {  	[tilespmem:s7], [sflag:$0x1] =	stream.indirect_vreg.gather [hbm4b:s8+s5], $0x80, v6, vm0, $0xb8;
	v6 =	vimm.s32 $0x4;
	[tilespmem:$0x2210] =	vst v63  }
0x18: {  	s9 =	simm.s32 $0x100;
	v10 =	vadd.s32 v1, v9;
	v60 =	vperm.xlane v18, v6  }
0x19: {  	[tilespmem:s9], [sflag:$0x1] =	stream.indirect_vreg.gather [hbm4b:s8+s5], $0x80, v7, vm0, $0xb8;
	v7 =	vimm.s32 $0x5;
	[tilespmem:$0x2210] =	vst v63  }
0x1a: {  	s26 =	simm.s32 $0x180;
	v11 =	vadd.s32 v1, v60;
	v12 =	vperm.xlane v18, v7  }
0x1b: {  	v9 =	vimm.s32 $0x6;
	[tilespmem:s26], [sflag:$0x1] =	stream.indirect_vreg.gather [hbm4b:s8+s5], $0x80, v8, vm0, $0xb8;
	[tilespmem:$0x2210] =	vst v63  }
0x1c: {  	s28 =	simm.s32 $0x200;
	v13 =	vperm.xlane v18, v9;
	v12 =	vadd.s32 v1, v12  }
0x1d: {  	v8 =	vimm.s32 $0x7;
	[tilespmem:s28], [sflag:$0x1] =	stream.indirect_vreg.gather [hbm4b:s8+s5], $0x80, v10, vm0, $0xb8;
	[tilespmem:$0x2210] =	vst v63  }
0x1e: {  	s29 =	simm.s32 $0x280;
	v13 =	vadd.s32 v1, v13;
	v14 =	vperm.xlane v18, v8  }
0x1f: {  	v10 =	vimm.s32 $0x8;
	[tilespmem:s29], [sflag:$0x1] =	stream.indirect_vreg.gather [hbm4b:s8+s5], $0x80, v11, vm0, $0xb8;
	[tilespmem:$0x2210] =	vst v63  }
0x20: {  	s30 =	simm.s32 $0x300;
	v14 =	vadd.s32 v1, v14;
	v15 =	vperm.xlane v18, v10  }
0x21: {  	v11 =	vimm.s32 $0x9;
	[tilespmem:s30], [sflag:$0x1] =	stream.indirect_vreg.gather [hbm4b:s8+s5], $0x80, v12, vm0, $0xb8;
	[tilespmem:$0x2210] =	vst v63  }
0x22: {  	s31 =	simm.s32 $0x380;
	v15 =	vadd.s32 v1, v15;
	v16 =	vperm.xlane v18, v11  }
0x23: {  	v12 =	vimm.s32 $0xA;
	[tilespmem:s31], [sflag:$0x1] =	stream.indirect_vreg.gather [hbm4b:s8+s5], $0x80, v13, vm0, $0xb8;
	[tilespmem:$0x2210] =	vst v63  }
0x24: {  	s10 =	simm.s32 $0x400;
	v16 =	vadd.s32 v1, v16;
	v17 =	vperm.xlane v18, v12  }
0x25: {  	v13 =	vimm.s32 $0xB;
	[tilespmem:s10], [sflag:$0x1] =	stream.indirect_vreg.gather [hbm4b:s8+s5], $0x80, v14, vm0, $0xb8;
	[tilespmem:$0x2210] =	vst v63  }
0x26: {  	s11 =	simm.s32 $0x480;
	v17 =	vadd.s32 v1, v17;
	v19 =	vperm.xlane v18, v13  }
0x27: {  	v14 =	vimm.s32 $0xC;
	[tilespmem:s11], [sflag:$0x1] =	stream.indirect_vreg.gather [hbm4b:s8+s5], $0x80, v15, vm0, $0xb8;
	[tilespmem:$0x2210] =	vst v63  }
0x28: {  	s12 =	simm.s32 $0x500;
	v19 =	vadd.s32 v1, v19;
	v20 =	vperm.xlane v18, v14  }
0x29: {  	v15 =	vimm.s32 $0xD;
	[tilespmem:s12], [sflag:$0x1] =	stream.indirect_vreg.gather [hbm4b:s8+s5], $0x80, v16, vm0, $0xb8;
	[tilespmem:$0x2210] =	vst v63  }
0x2a: {  	s13 =	simm.s32 $0x580;
	v20 =	vadd.s32 v1, v20;
	v21 =	vperm.xlane v18, v15  }
0x2b: {  	v16 =	vimm.s32 $0xE;
	[tilespmem:s13], [sflag:$0x1] =	stream.indirect_vreg.gather [hbm4b:s8+s5], $0x80, v17, vm0, $0xb8;
	[tilespmem:$0x2210] =	vst v63  }
0x2c: {  	s14 =	simm.s32 $0x600;
	v21 =	vadd.s32 v1, v21;
	v22 =	vperm.xlane v18, v16  }
0x2d: {  	v17 =	vimm.s32 $0xF;
	[tilespmem:s14], [sflag:$0x1] =	stream.indirect_vreg.gather [hbm4b:s8+s5], $0x80, v19, vm0, $0xb8;
	[tilespmem:$0x2210] =	vst v63  }
0x2e: {  	s15 =	simm.s32 $0x680;
	v61 =	vadd.s32 v1, v22;
	v18 =	vperm.xlane v18, v17  }
0x2f: {  	[tilespmem:s15], [sflag:$0x1] =	stream.indirect_vreg.gather [hbm4b:s8+s5], $0x80, v20, vm0, $0xb8;
	[tilespmem:$0x2210] =	vst v63  }
0x30: {  	s16 =	simm.s32 $0x700;
	v18 =	vadd.s32 v1, v18  }
0x31: {  	[tilespmem:s16], [sflag:$0x1] =	stream.indirect_vreg.gather [hbm4b:s8+s5], $0x80, v21, vm0, $0xb8;
	[tilespmem:$0x2210] =	vst v63  }
0x32: {  	s17 =	simm.s32 $0x780  }
0x33: {  	[tilespmem:s17], [sflag:$0x1] =	stream.indirect_vreg.gather [hbm4b:s8+s5], $0x80, v61, vm0, $0xb8;
	[tilespmem:$0x2210] =	vst v63  }
0x34: {  	s18 =	simm.s32 $0x800  }
0x35: {  	[tilespmem:s18], [sflag:$0x1] =	stream.indirect_vreg.gather [hbm4b:s8+s5], $0x80, v18, vm0, $0xb8;
	[tilespmem:$0x2210] =	vst v63  }
0x36: {  	v18 =	vld [tilespmem:$0x10];
	_ =	sdelay $0x4  }
0x37: {  	v62 =	vshll.u32 v18, $0x3  }
0x38: {  	v18 =	vand.u32 $0x7, v18;
	v19 =	vand.u32 $0xFFFFFFC0, v62  }
0x39: {  	v18 =	vor.u32 v18, v19  }
0x3a: {  	v19 =	vperm.xlane v18, v2;
	_ =	sdelay $0x1  }
0x3b: {  	v63 =	vperm.xlane v18, v3;
	v19 =	vadd.s32 v1, v19;
	_ =	sdelay $0x1  }
0x3c: {  	v24 =	vperm.xlane v18, v4;
	v20 =	vadd.s32 v1, v63;
	_ =	sdelay $0x1  }
0x3d: {  	s19 =	simm.s32 $0x880;
	v25 =	vperm.xlane v18, v5;
	v21 =	vadd.s32 v1, v24  }
0x3e: {  	[tilespmem:s19], [sflag:$0x1] =	stream.indirect_vreg.gather [hbm4b:s8+s5], $0x80, v19, vm0, $0xb8;
	[tilespmem:$0x2210] =	vst v63  }
0x3f: {  	s20 =	simm.s32 $0x900;
	v27 =	vperm.xlane v18, v6;
	v26 =	vadd.s32 v1, v25  }
0x40: {  	[tilespmem:s20], [sflag:$0x1] =	stream.indirect_vreg.gather [hbm4b:s8+s5], $0x80, v20, vm0, $0xb8;
	[tilespmem:$0x2210] =	vst v63  }
0x41: {  	s21 =	simm.s32 $0x980;
	v29 =	vperm.xlane v18, v7;
	v28 =	vadd.s32 v1, v27  }
0x42: {  	[tilespmem:s21], [sflag:$0x1] =	stream.indirect_vreg.gather [hbm4b:s8+s5], $0x80, v21, vm0, $0xb8;
	[tilespmem:$0x2210] =	vst v63  }
0x43: {  	s22 =	simm.s32 $0xA00;
	v31 =	vperm.xlane v18, v9;
	v30 =	vadd.s32 v1, v29  }
0x44: {  	[tilespmem:s22], [sflag:$0x1] =	stream.indirect_vreg.gather [hbm4b:s8+s5], $0x80, v26, vm0, $0xb8;
	[tilespmem:$0x2210] =	vst v63  }
0x45: {  	s23 =	simm.s32 $0xA80;
	v33 =	vperm.xlane v18, v8;
	v32 =	vadd.s32 v1, v31  }
0x46: {  	[tilespmem:s23], [sflag:$0x1] =	stream.indirect_vreg.gather [hbm4b:s8+s5], $0x80, v28, vm0, $0xb8;
	[tilespmem:$0x2210] =	vst v63  }
0x47: {  	s24 =	simm.s32 $0xB00;
	v35 =	vperm.xlane v18, v10;
	v34 =	vadd.s32 v1, v33  }
0x48: {  	[tilespmem:s24], [sflag:$0x1] =	stream.indirect_vreg.gather [hbm4b:s8+s5], $0x80, v30, vm0, $0xb8;
	[tilespmem:$0x2210] =	vst v63  }
0x49: {  	s25 =	simm.s32 $0xB80;
	v37 =	vperm.xlane v18, v11;
	v36 =	vadd.s32 v1, v35  }
0x4a: {  	[tilespmem:s25], [sflag:$0x1] =	stream.indirect_vreg.gather [hbm4b:s8+s5], $0x80, v32, vm0, $0xb8;
	[tilespmem:$0x2210] =	vst v63  }
0x4b: {  	s26 =	simm.s32 $0xC00;
	v39 =	vperm.xlane v18, v12;
	v38 =	vadd.s32 v1, v37  }
0x4c: {  	[tilespmem:s26], [sflag:$0x1] =	stream.indirect_vreg.gather [hbm4b:s8+s5], $0x80, v34, vm0, $0xb8;
	[tilespmem:$0x2210] =	vst v63  }
0x4d: {  	s28 =	simm.s32 $0xC80;
	v41 =	vperm.xlane v18, v13;
	v40 =	vadd.s32 v1, v39  }
0x4e: {  	[tilespmem:s28], [sflag:$0x1] =	stream.indirect_vreg.gather [hbm4b:s8+s5], $0x80, v36, vm0, $0xb8;
	[tilespmem:$0x2210] =	vst v63  }
0x4f: {  	s29 =	simm.s32 $0xD00;
	v43 =	vperm.xlane v18, v14;
	v42 =	vadd.s32 v1, v41  }
0x50: {  	[tilespmem:s29], [sflag:$0x1] =	stream.indirect_vreg.gather [hbm4b:s8+s5], $0x80, v38, vm0, $0xb8;
	[tilespmem:$0x2210] =	vst v63  }
0x51: {  	s30 =	simm.s32 $0xD80;
	v45 =	vperm.xlane v18, v15;
	v44 =	vadd.s32 v1, v43  }
0x52: {  	[tilespmem:s30], [sflag:$0x1] =	stream.indirect_vreg.gather [hbm4b:s8+s5], $0x80, v40, vm0, $0xb8;
	[tilespmem:$0x2210] =	vst v63  }
0x53: {  	s31 =	simm.s32 $0xE00;
	v47 =	vperm.xlane v18, v16;
	v46 =	vadd.s32 v1, v45  }
0x54: {  	[tilespmem:s31], [sflag:$0x1] =	stream.indirect_vreg.gather [hbm4b:s8+s5], $0x80, v42, vm0, $0xb8;
	[tilespmem:$0x2210] =	vst v63  }
0x55: {  	s10 =	simm.s32 $0xE80;
	v18 =	vperm.xlane v18, v17;
	v48 =	vadd.s32 v1, v47  }
0x56: {  	[tilespmem:s10], [sflag:$0x1] =	stream.indirect_vreg.gather [hbm4b:s8+s5], $0x80, v44, vm0, $0xb8;
	[tilespmem:$0x2210] =	vst v63  }
0x57: {  	s11 =	simm.s32 $0xF00;
	v18 =	vadd.s32 v1, v18  }
0x58: {  	[tilespmem:s11], [sflag:$0x1] =	stream.indirect_vreg.gather [hbm4b:s8+s5], $0x80, v46, vm0, $0xb8;
	[tilespmem:$0x2210] =	vst v63  }
0x59: {  	s12 =	simm.s32 $0xF80  }
0x5a: {  	[tilespmem:s12], [sflag:$0x1] =	stream.indirect_vreg.gather [hbm4b:s8+s5], $0x80, v48, vm0, $0xb8;
	[tilespmem:$0x2210] =	vst v63  }
0x5b: {  	s13 =	simm.s32 $0x1000  }
0x5c: {  	[tilespmem:s13], [sflag:$0x1] =	stream.indirect_vreg.gather [hbm4b:s8+s5], $0x80, v18, vm0, $0xb8;
	[tilespmem:$0x2210] =	vst v63  }
0x5d: {  	v18 =	vld [tilespmem:$0x20];
	_ =	sdelay $0x4  }
0x5e: {  	v49 =	vshll.u32 v18, $0x3  }
0x5f: {  	v18 =	vand.u32 $0x7, v18;
	v19 =	vand.u32 $0xFFFFFFC0, v49  }
0x60: {  	v18 =	vor.u32 v18, v19  }
0x61: {  	v19 =	vperm.xlane v18, v2;
	_ =	sdelay $0x1  }
0x62: {  	v50 =	vperm.xlane v18, v3;
	v19 =	vadd.s32 v1, v19;
	_ =	sdelay $0x1  }
0x63: {  	v51 =	vperm.xlane v18, v4;
	v20 =	vadd.s32 v1, v50;
	_ =	sdelay $0x1  }
0x64: {  	s14 =	simm.s32 $0x1080;
	v52 =	vperm.xlane v18, v5;
	v21 =	vadd.s32 v1, v51  }
0x65: {  	[tilespmem:s14], [sflag:$0x1] =	stream.indirect_vreg.gather [hbm4b:s8+s5], $0x80, v19, vm0, $0xb8;
	[tilespmem:$0x2210] =	vst v63  }
0x66: {  	s15 =	simm.s32 $0x1100;
	v54 =	vperm.xlane v18, v6;
	v53 =	vadd.s32 v1, v52  }
0x67: {  	[tilespmem:s15], [sflag:$0x1] =	stream.indirect_vreg.gather [hbm4b:s8+s5], $0x80, v20, vm0, $0xb8;
	[tilespmem:$0x2210] =	vst v63  }
0x68: {  	s16 =	simm.s32 $0x1180;
	v56 =	vperm.xlane v18, v7;
	v55 =	vadd.s32 v1, v54  }
0x69: {  	[tilespmem:s16], [sflag:$0x1] =	stream.indirect_vreg.gather [hbm4b:s8+s5], $0x80, v21, vm0, $0xb8;
	[tilespmem:$0x2210] =	vst v63  }
0x6a: {  	s17 =	simm.s32 $0x1200;
	v58 =	vperm.xlane v18, v9;
	v57 =	vadd.s32 v1, v56  }
0x6b: {  	[tilespmem:s17], [sflag:$0x1] =	stream.indirect_vreg.gather [hbm4b:s8+s5], $0x80, v53, vm0, $0xb8;
	[tilespmem:$0x2210] =	vst v63  }
0x6c: {  	s18 =	simm.s32 $0x1280;
	v60 =	vperm.xlane v18, v8;
	v59 =	vadd.s32 v1, v58  }
0x6d: {  	[tilespmem:s18], [sflag:$0x1] =	stream.indirect_vreg.gather [hbm4b:s8+s5], $0x80, v55, vm0, $0xb8;
	[tilespmem:$0x2210] =	vst v63  }
0x6e: {  	s19 =	simm.s32 $0x1300;
	v62 =	vperm.xlane v18, v10;
	v61 =	vadd.s32 v1, v60  }
0x6f: {  	[tilespmem:s19], [sflag:$0x1] =	stream.indirect_vreg.gather [hbm4b:s8+s5], $0x80, v57, vm0, $0xb8;
	[tilespmem:$0x2210] =	vst v63  }
0x70: {  	s20 =	simm.s32 $0x1380;
	v24 =	vperm.xlane v18, v11;
	v63 =	vadd.s32 v1, v62  }
0x71: {  	[tilespmem:s20], [sflag:$0x1] =	stream.indirect_vreg.gather [hbm4b:s8+s5], $0x80, v59, vm0, $0xb8;
	[tilespmem:$0x2210] =	vst v63  }
0x72: {  	s21 =	simm.s32 $0x1400;
	v26 =	vperm.xlane v18, v12;
	v25 =	vadd.s32 v1, v24  }
0x73: {  	[tilespmem:s21], [sflag:$0x1] =	stream.indirect_vreg.gather [hbm4b:s8+s5], $0x80, v61, vm0, $0xb8;
	[tilespmem:$0x2210] =	vst v63  }
0x74: {  	s22 =	simm.s32 $0x1480;
	v28 =	vperm.xlane v18, v13;
	v27 =	vadd.s32 v1, v26  }
0x75: {  	[tilespmem:s22], [sflag:$0x1] =	stream.indirect_vreg.gather [hbm4b:s8+s5], $0x80, v63, vm0, $0xb8;
	[tilespmem:$0x2210] =	vst v63  }
0x76: {  	s23 =	simm.s32 $0x1500;
	v30 =	vperm.xlane v18, v14;
	v29 =	vadd.s32 v1, v28  }
0x77: {  	[tilespmem:s23], [sflag:$0x1] =	stream.indirect_vreg.gather [hbm4b:s8+s5], $0x80, v25, vm0, $0xb8;
	[tilespmem:$0x2210] =	vst v63  }
0x78: {  	s24 =	simm.s32 $0x1580;
	v32 =	vperm.xlane v18, v15;
	v31 =	vadd.s32 v1, v30  }
0x79: {  	[tilespmem:s24], [sflag:$0x1] =	stream.indirect_vreg.gather [hbm4b:s8+s5], $0x80, v27, vm0, $0xb8;
	[tilespmem:$0x2210] =	vst v63  }
0x7a: {  	s25 =	simm.s32 $0x1600;
	v34 =	vperm.xlane v18, v16;
	v33 =	vadd.s32 v1, v32  }
0x7b: {  	[tilespmem:s25], [sflag:$0x1] =	stream.indirect_vreg.gather [hbm4b:s8+s5], $0x80, v29, vm0, $0xb8;
	[tilespmem:$0x2210] =	vst v63  }
0x7c: {  	s26 =	simm.s32 $0x1680;
	v18 =	vperm.xlane v18, v17;
	v35 =	vadd.s32 v1, v34  }
0x7d: {  	[tilespmem:s26], [sflag:$0x1] =	stream.indirect_vreg.gather [hbm4b:s8+s5], $0x80, v31, vm0, $0xb8;
	[tilespmem:$0x2210] =	vst v63  }
0x7e: {  	s28 =	simm.s32 $0x1700;
	v18 =	vadd.s32 v1, v18  }
0x7f: {  	[tilespmem:s28], [sflag:$0x1] =	stream.indirect_vreg.gather [hbm4b:s8+s5], $0x80, v33, vm0, $0xb8;
	[tilespmem:$0x2210] =	vst v63  }
0x80: {  	s29 =	simm.s32 $0x1780  }
0x81: {  	[tilespmem:s29], [sflag:$0x1] =	stream.indirect_vreg.gather [hbm4b:s8+s5], $0x80, v35, vm0, $0xb8;
	[tilespmem:$0x2210] =	vst v63  }
0x82: {  	s30 =	simm.s32 $0x1800  }
0x83: {  	[tilespmem:s30], [sflag:$0x1] =	stream.indirect_vreg.gather [hbm4b:s8+s5], $0x80, v18, vm0, $0xb8;
	[tilespmem:$0x2210] =	vst v63  }
0x84: {  	v18 =	vld [tilespmem:$0x30];
	_ =	sdelay $0x4  }
0x85: {  	v36 =	vshll.u32 v18, $0x3  }
0x86: {  	v18 =	vand.u32 $0x7, v18;
	v19 =	vand.u32 $0xFFFFFFC0, v36  }
0x87: {  	v18 =	vor.u32 v18, v19  }
0x88: {  	v2 =	vperm.xlane v18, v2;
	_ =	sdelay $0x1  }
0x89: {  	v3 =	vperm.xlane v18, v3;
	v2 =	vadd.s32 v1, v2;
	_ =	sdelay $0x1  }
0x8a: {  	v4 =	vperm.xlane v18, v4;
	v3 =	vadd.s32 v1, v3;
	_ =	sdelay $0x1  }
0x8b: {  	s31 =	simm.s32 $0x1880;
	v5 =	vperm.xlane v18, v5;
	v4 =	vadd.s32 v1, v4  }
0x8c: {  	[tilespmem:s31], [sflag:$0x1] =	stream.indirect_vreg.gather [hbm4b:s8+s5], $0x80, v2, vm0, $0xb8;
	[tilespmem:$0x2210] =	vst v63  }
0x8d: {  	s10 =	simm.s32 $0x1900;
	v38 =	vperm.xlane v18, v6;
	v37 =	vadd.s32 v1, v5  }
0x8e: {  	[tilespmem:s10], [sflag:$0x1] =	stream.indirect_vreg.gather [hbm4b:s8+s5], $0x80, v3, vm0, $0xb8;
	[tilespmem:$0x2210] =	vst v63  }
0x8f: {  	s11 =	simm.s32 $0x1980;
	v40 =	vperm.xlane v18, v7;
	v39 =	vadd.s32 v1, v38  }
0x90: {  	[tilespmem:s11], [sflag:$0x1] =	stream.indirect_vreg.gather [hbm4b:s8+s5], $0x80, v4, vm0, $0xb8;
	[tilespmem:$0x2210] =	vst v63  }
0x91: {  	s12 =	simm.s32 $0x1A00;
	v42 =	vperm.xlane v18, v9;
	v41 =	vadd.s32 v1, v40  }
0x92: {  	[tilespmem:s12], [sflag:$0x1] =	stream.indirect_vreg.gather [hbm4b:s8+s5], $0x80, v37, vm0, $0xb8;
	[tilespmem:$0x2210] =	vst v63  }
0x93: {  	s13 =	simm.s32 $0x1A80;
	v44 =	vperm.xlane v18, v8;
	v43 =	vadd.s32 v1, v42  }
0x94: {  	[tilespmem:s13], [sflag:$0x1] =	stream.indirect_vreg.gather [hbm4b:s8+s5], $0x80, v39, vm0, $0xb8;
	[tilespmem:$0x2210] =	vst v63  }
0x95: {  	s14 =	simm.s32 $0x1B00;
	v46 =	vperm.xlane v18, v10;
	v45 =	vadd.s32 v1, v44  }
0x96: {  	[tilespmem:s14], [sflag:$0x1] =	stream.indirect_vreg.gather [hbm4b:s8+s5], $0x80, v41, vm0, $0xb8;
	[tilespmem:$0x2210] =	vst v63  }
0x97: {  	s15 =	simm.s32 $0x1B80;
	v48 =	vperm.xlane v18, v11;
	v47 =	vadd.s32 v1, v46  }
0x98: {  	[tilespmem:s15], [sflag:$0x1] =	stream.indirect_vreg.gather [hbm4b:s8+s5], $0x80, v43, vm0, $0xb8;
	[tilespmem:$0x2210] =	vst v63  }
0x99: {  	s16 =	simm.s32 $0x1C00;
	v50 =	vperm.xlane v18, v12;
	v49 =	vadd.s32 v1, v48  }
0x9a: {  	[tilespmem:s16], [sflag:$0x1] =	stream.indirect_vreg.gather [hbm4b:s8+s5], $0x80, v45, vm0, $0xb8;
	[tilespmem:$0x2210] =	vst v63  }
0x9b: {  	s17 =	simm.s32 $0x1C80;
	v52 =	vperm.xlane v18, v13;
	v51 =	vadd.s32 v1, v50  }
0x9c: {  	[tilespmem:s17], [sflag:$0x1] =	stream.indirect_vreg.gather [hbm4b:s8+s5], $0x80, v47, vm0, $0xb8;
	[tilespmem:$0x2210] =	vst v63  }
0x9d: {  	s18 =	simm.s32 $0x1D00;
	v54 =	vperm.xlane v18, v14;
	v53 =	vadd.s32 v1, v52  }
0x9e: {  	[tilespmem:s18], [sflag:$0x1] =	stream.indirect_vreg.gather [hbm4b:s8+s5], $0x80, v49, vm0, $0xb8;
	[tilespmem:$0x2210] =	vst v63  }
0x9f: {  	s19 =	simm.s32 $0x1D80;
	v56 =	vperm.xlane v18, v15;
	v55 =	vadd.s32 v1, v54  }
0xa0: {  	[tilespmem:s19], [sflag:$0x1] =	stream.indirect_vreg.gather [hbm4b:s8+s5], $0x80, v51, vm0, $0xb8;
	[tilespmem:$0x2210] =	vst v63  }
0xa1: {  	s20 =	simm.s32 $0x1E00;
	v58 =	vperm.xlane v18, v16;
	v57 =	vadd.s32 v1, v56  }
0xa2: {  	[tilespmem:s20], [sflag:$0x1] =	stream.indirect_vreg.gather [hbm4b:s8+s5], $0x80, v53, vm0, $0xb8;
	[tilespmem:$0x2210] =	vst v63  }
0xa3: {  	s21 =	simm.s32 $0x1E80;
	v60 =	vperm.xlane v18, v17;
	v59 =	vadd.s32 v1, v58  }
0xa4: {  	[tilespmem:s21], [sflag:$0x1] =	stream.indirect_vreg.gather [hbm4b:s8+s5], $0x80, v55, vm0, $0xb8;
	[tilespmem:$0x2210] =	vst v63  }
0xa5: {  	s22 =	simm.s32 $0x1F00;
	v1 =	vadd.s32 v1, v60  }
0xa6: {  	[tilespmem:s22], [sflag:$0x1] =	stream.indirect_vreg.gather [hbm4b:s8+s5], $0x80, v57, vm0, $0xb8;
	[tilespmem:$0x2210] =	vst v63  }
0xa7: {  	v0 =	vmul.u32 $0x81, v0;
	s23 =	simm.s32 $0x1F80;
	s24 =	sand.u32 $0x40, s6  }
0xa8: {  	[tilespmem:s23], [sflag:$0x1] =	stream.indirect_vreg.gather [hbm4b:s8+s5], $0x80, v59, vm0, $0xb8;
	[tilespmem:$0x2210] =	vst v63  }
0xa9: {  	v61 =	vor.u32 s24, v0;
	s25 =	sor.u32 $0x10, s24;
	s26 =	simm.s32 $0x1;
	s10 =	simm.s32 $0x2000  }
0xaa: {  	v62 =	vor.u32 $0x800, v0;
	[tilespmem:s10], [sflag:$0x1] =	stream.indirect_vreg.gather [hbm4b:s8+s5], $0x80, v1, vm0, $0xb8;
	[tilespmem:$0x2210] =	vst v63  }
0xab: {  	v2 =	vor.u32 s25, v62;
	_ =	swait.ge [sflag:s26], $0x2000  }
0xac: {  	v63 =	vor.u32 $0x1000, v0;
	s28 =	sor.u32 $0x20, s24;
	[sflag:s26] =	ssyncset.done $0x0  }
0xad: {  	v3 =	vor.u32 s28, v63;
	[sflag:s26] =	ssyncadd.s32 $0xFFFFE000  }
0xae: {  	v0 =	vor.u32 $0x1800, v0;
	s29 =	sor.u32 $0x30, s24;
	v1 =	vld.idx.msk [tilespmem:v61+s7+$0x0], $0xffff  }
0xaf: {  	v0 =	vor.u32 s29, v0  }
0xb0: {  	v2 =	vld.idx.msk [tilespmem:v2+s7+$0x0], $0xffff;
	_ =	sdelay $0x1  }
0xb1: {  	v3 =	vld.idx.msk [tilespmem:v3+s7+$0x0], $0xffff  }
0xb2: {  	v1 =	vadd.f32 $0.0e+00, v1  }
0xb3: {  	v0 =	vld.idx.msk [tilespmem:v0+s7+$0x0], $0xffff  }
0xb4: {  	v1 =	vadd.f32 v2, v1;
	_ =	sdelay $0x1  }
0xb5: {  	v1 =	vadd.f32 v3, v1;
	_ =	sdelay $0x1  }
0xb6: {  	v0 =	vadd.f32 v0, v1  }
0xb7: {  	s30 =	sshrl.u32 s6, $0x2  }
0xb8: {  	s31 =	simm.s32 $0x2180;
	s5 =	sadd.s32 s30, s2;
	[tilespmem:$0x2180] =	vst v0  }
0xb9: {  	[spmem:s5] =	stream.linear.scatter [tilespmem:s31], [sflag:$0x2], $0x10, $0x38;
	[tilespmem:$0x2210] =	vst v63  }
0xba: {  	_ =	swait.ge [sflag:s4], $0x10  }
0xbb: {  	[sflag:s4] =	ssyncset.done $0x0  }
0xbc: {  	[sflag:s4] =	ssyncadd.s32 $0xFFFFFFF0  }
0xbd: {  	p0 =	sne.s32 s3, $0x0;
	[bflag:$0x0] =	sbarrier.arrive $0xFFFF  }
0xbe: {  	_ =	sfence.sel @p0 $0x180000  }
0xbf: {  	[bflag:$0x0] =	sbarrier.arrive @p0 $0xFFFF  }
0xc0: {  	_ =	strace @p0 $0x90000047  }
0xc1: {  	s3 =	simm.s32 @!p0 $0x2080;
	[bflag:$0x2] =	sbarrier.arrive @p0 $0xFFFF  }
0xc2: {  	[tilespmem:s3], [sflag:$0x2] =	stream.linear.gather @!p0 [spmem:s2], $0x100, $0x38;
	[tilespmem:$0x2210] =	vst v63  }
0xc3: {  	s2 =	simm.s32 @!p0 $0x2  }
0xc4: {  	_ =	swait.ge @!p0 [sflag:s2], $0x100  }
0xc5: {  	[sflag:s2] =	ssyncset.done @!p0 $0x0  }
0xc6: {  	[sflag:s2] =	ssyncadd.s32 @!p0 $0xFFFFFF00  }
0xc7: {  	v0 =	vld @!p0 [tilespmem:$0x2080]  }
0xc8: {  	v1 =	vld @!p0 [tilespmem:$0x2090];
	_ =	sdelay $0x1  }
0xc9: {  	v2 =	vld @!p0 [tilespmem:$0x20A0];
	_ =	sdelay $0x1  }
0xca: {  	v3 =	vld @!p0 [tilespmem:$0x20B0]  }
0xcb: {  	v0 =	vadd.f32 @!p0 v1, v0  }
0xcc: {  	v1 =	vld @!p0 [tilespmem:$0x20C0]  }
0xcd: {  	v0 =	vadd.f32 @!p0 v2, v0  }
0xce: {  	v2 =	vld @!p0 [tilespmem:$0x20D0]  }
0xcf: {  	v0 =	vadd.f32 @!p0 v3, v0  }
0xd0: {  	v3 =	vld @!p0 [tilespmem:$0x20E0]  }
0xd1: {  	v0 =	vadd.f32 @!p0 v1, v0  }
0xd2: {  	v1 =	vld @!p0 [tilespmem:$0x20F0]  }
0xd3: {  	v0 =	vadd.f32 @!p0 v2, v0  }
0xd4: {  	v2 =	vld @!p0 [tilespmem:$0x2100]  }
0xd5: {  	v0 =	vadd.f32 @!p0 v3, v0  }
0xd6: {  	v3 =	vld @!p0 [tilespmem:$0x2110]  }
0xd7: {  	v0 =	vadd.f32 @!p0 v1, v0  }
0xd8: {  	v1 =	vld @!p0 [tilespmem:$0x2120]  }
0xd9: {  	v0 =	vadd.f32 @!p0 v2, v0  }
0xda: {  	v2 =	vld @!p0 [tilespmem:$0x2130]  }
0xdb: {  	v0 =	vadd.f32 @!p0 v3, v0  }
0xdc: {  	v3 =	vld @!p0 [tilespmem:$0x2140]  }
0xdd: {  	v0 =	vadd.f32 @!p0 v1, v0  }
0xde: {  	v1 =	vld @!p0 [tilespmem:$0x2150]  }
0xdf: {  	v0 =	vadd.f32 @!p0 v2, v0  }
0xe0: {  	v2 =	vld @!p0 [tilespmem:$0x2160]  }
0xe1: {  	v0 =	vadd.f32 @!p0 v3, v0  }
0xe2: {  	v3 =	vld @!p0 [tilespmem:$0x2170]  }
0xe3: {  	v0 =	vadd.f32 @!p0 v1, v0;
	_ =	sdelay $0x1  }
0xe4: {  	v0 =	vadd.f32 @!p0 v2, v0;
	_ =	sdelay $0x1  }
0xe5: {  	v0 =	vadd.f32 @!p0 v3, v0;
	_ =	sdelay $0x1  }
0xe6: {  	(xrf2) =	vadd.scan.msk.f32 @!p0 $0xffff, v0;
	_ =	sdelay $0x9  }
0xe7: {  	v0, _, _ =	vpop @!p0 (xrf2)  }
0xe8: {  	(v2sf) =	vpush @!p0 v0, $0xF;
	_ =	sdelay $0xe  }
0xe9: {  	s3 =	spop @!p0 (v2sf)  }
0xea: {  	s3 =	smul.f32 @!p0 $-9.765625000e-04, s3;
	_ =	sdelay $0x1  }
0xeb: {  	s3 =	sadd.f32 @!p0 $1.000000000e+00, s3;
	_ =	sdelay $0x1  }
0xec: {  	v0 =	vmov @!p0 s3  }
0xed: {  	s4 =	simm.s32 @!p0 $0x2180;
	s3 =	simm.s32 @!p0 $0x0;
	[tilespmem:$0x2180] =	vst @!p0 v0  }
0xee: {  	[hbm4b:s1+s3] =	stream.linear.scatter @!p0 [tilespmem:s4], [sflag:$0x2], $0x80, $0x38;
	[tilespmem:$0x2210] =	vst v63  }
0xef: {  	_ =	swait.ge @!p0 [sflag:s2], $0x80  }
0xf0: {  	[sflag:s2] =	ssyncset.done @!p0 $0x0  }
0xf1: {  	[sflag:s2] =	ssyncadd.s32 @!p0 $0xFFFFFF80  }
0xf2: {  	_ =	sfence.sel @!p0 $0x180000  }
0xf3: {  	[bflag:$0x0] =	sbarrier.arrive @!p0 $0xFFFF  }
0xf4: {  	_ =	strace @!p0 $0x90000047  }
0xf5: {  	s0 =	sadd.s32 @!p0 $0x100000, s0;
	[bflag:$0x2] =	sbarrier.arrive @!p0 $0xFFFF  }
0xf6: {  	[sflag:s0] =	ssyncadd.tile.s32 @!p0 $0x1;
	_ =	shalt  }
.Lfunc_end2:
_tile_overlayer_lowered:
.L_overlay_start_2:
0xf7: {  	(tag) =	ssettag $0x2  }
0xf8: {  	s0 =	rddreg [dreg:$0x0];
	s2 =	stileid.u32  }
0xf9: {  	s1 =	rddreg [dreg:$0x1];
	p0 =	sne.s32 s2, $0x0  }
0xfa: {  	s3 =	rddreg [dreg:$0x2];
	[bflag:$0x3] =	sbarrier.arrive $0xFFFF;
	s2 =	simm.s32 @!p0 $0x1C02  }
0xfb: {  	[timem:s3], [sflag:s2] =	dma.local @!p0 [hbm:s0], s1  }
0xfc: {  	s0 =	simm.s32 @!p0 $0x2  }
0xfd: {  	_ =	swait.ge @!p0 [sflag:s0], s1  }
0xfe: {  	s1 =	ssub.s32 @!p0 $0x0, s1;
	[sflag:s0] =	ssyncset.done @!p0 $0x0  }
0xff: {  	[sflag:s0] =	ssyncadd.s32 @!p0 s1  }
0x100: {  	[bflag:$0x3] =	sbarrier.arrive $0xFFFF  }
0x101: {  	_ =	shalt  }

</sc_bundles>
